<compile_context>
chip_gen: v7x
topology: tpu7x:2x2x1
jax: 0.10.2.dev20260603
libtpu: 0.0.44.dev20260713+nightly
codegen_flags: <defaults>
</compile_context>

<pallas_src>
import functools

import jax
import jax.numpy as jnp
from jax import lax
from jax.experimental import pallas as pl
from jax.experimental.pallas import tpu as pltpu
from jax.experimental.pallas import tpu_sc as plsc

N = 500000
C = 100
NBINS = 15
RB = 5000
NBLK = N // RB
PAD_ROWS = 4096
PADN = PAD_ROWS * 128
NSLOT = 32
LB = 20
NB = 1 << (30 - LB)
SEARCH_ITERS = LB

NCORE = 2
NTILE = 16
SC_CHUNK = 15744
SC_ROWS = SC_CHUNK // 128
SC_NPAD = NCORE * NTILE * SC_CHUNK
PAD_KEY = 0x3FFFFFFF


def _sc_hist_body(keys_hbm, out_hbm, kbuf, idxbuf, ones_ref, zbuf, shared):
    cid = lax.axis_index("c")
    sid = lax.axis_index("s")
    wid = cid * NTILE + sid
    pltpu.sync_copy(keys_hbm.at[pl.ds(wid * SC_CHUNK, SC_CHUNK)], kbuf)

    zwords = NB // NTILE
    zv = jnp.zeros((16,), jnp.int32)

    def zfill(i, c):
        zbuf[pl.ds(i * 16, 16)] = zv
        return c
    lax.fori_loop(0, zwords // 16, zfill, 0)
    pltpu.sync_copy(zbuf, shared.at[pl.ds(sid * zwords, zwords)])

    def ofill(i, c):
        ones_ref[pl.ds(i * 16, 16)] = jnp.full((16,), 1, jnp.int32)
        return c
    lax.fori_loop(0, 8, ofill, 0)
    plsc.subcore_barrier()

    def block(r, c):
        def sub(i, c2):
            j = r * 8 + i
            k = kbuf[pl.ds(j * 16, 16)]
            idxbuf[pl.ds(i * 16, 16)] = k >> LB
            return c2
        lax.fori_loop(0, 8, sub, 0)
        pltpu.sync_copy(ones_ref, shared.at[idxbuf], add=True)
        return c
    lax.fori_loop(0, SC_ROWS, block, 0)

    plsc.subcore_barrier()

    @pl.when(sid == 0)
    def _():
        pltpu.sync_copy(shared, out_hbm.at[cid])


def _sc_hist(keys_p):
    mesh = plsc.VectorSubcoreMesh(core_axis_name="c", subcore_axis_name="s")
    f = functools.partial(
        pl.kernel,
        mesh=mesh,
        out_type=jax.ShapeDtypeStruct((NCORE, NB), jnp.int32),
        scratch_types=[
            pltpu.VMEM((SC_CHUNK,), jnp.int32),
            pltpu.VMEM((128,), jnp.int32),
            pltpu.VMEM((128,), jnp.int32),
            pltpu.VMEM((NB // NTILE,), jnp.int32),
            pltpu.VMEM_SHARED((NB,), jnp.int32),
        ],
    )(_sc_hist_body)
    return f(keys_p)


def _locate_kernel(ranks_ref, h_ref, b1_ref):
    h = h_ref[...]
    tot = (h[0:1, :] + h[1:2, :]).astype(jnp.float32)
    rows_i = lax.broadcasted_iota(jnp.int32, (NB, NB), 0)
    cols_i = lax.broadcasted_iota(jnp.int32, (NB, NB), 1)
    tri = jnp.where(rows_i <= cols_i, 1.0, 0.0)
    cum = lax.dot_general(tot, tri, (((1,), (0,)), ((), ())),
                          precision=lax.Precision.HIGHEST,
                          preferred_element_type=jnp.float32)

    def per_t(t, c):
        r = ranks_ref[t].astype(jnp.float32)
        b1_ref[t] = jnp.sum(jnp.where(cum <= r, 1, 0))
        return c
    lax.fori_loop(0, NSLOT, per_t, 0)


def _locate(h1, ranks):
    return pl.pallas_call(
        _locate_kernel,
        in_specs=[pl.BlockSpec(memory_space=pltpu.SMEM),
                  pl.BlockSpec((NCORE, NB), lambda: (0, 0))],
        out_specs=pl.BlockSpec(memory_space=pltpu.SMEM),
        out_shape=jax.ShapeDtypeStruct((NSLOT,), jnp.int32),
    )(ranks, h1)


def _stage1_kernel(x_ref, lab_ref, conf_ref, acc_ref):
    x = x_ref[...]
    lab = lab_ref[0, 0, :]
    m = jnp.max(x, axis=1)
    cols = jax.lax.broadcasted_iota(jnp.int32, (RB, C), 1)
    labc = lab[:, None]
    sel = jnp.where(cols == labc, 1.0,
                    jnp.where(cols < labc, 200.0, 0.0))
    w = jnp.where(x == m[:, None], sel, 0.0)
    s = jax.lax.dot_general(w, jnp.ones((C, 1), jnp.float32),
                            (((1,), (0,)), ((), ())),
                            preferred_element_type=jnp.float32)[:, 0]
    conf_ref[0, 0, :] = m
    acc_ref[0, 0, :] = jnp.where(s == 1.0, 1.0, 0.0)


def _stage2_kernel(ranks_ref, fracs_ref, b1_ref, conf_ref, acc_ref, out_ref,
                   lo_ref, hi_ref, edge_ref):
    conf = conf_ref[...]
    keys = jax.lax.bitcast_convert_type(conf, jnp.int32)

    def init(t, c):
        lo_ref[t] = b1_ref[t] << LB
        hi_ref[t] = ((b1_ref[t] + 1) << LB) - 1
        return c
    jax.lax.fori_loop(0, NSLOT, init, 0)

    def step(s, c):
        def per_t(t, c2):
            lo = lo_ref[t]
            hi = hi_ref[t]
            mid = lo + (hi - lo) // 2
            cnt = jnp.sum((keys <= mid).astype(jnp.int32))
            ge = cnt >= ranks_ref[t] + 1
            lo_ref[t] = jnp.where(ge, lo, mid + 1)
            hi_ref[t] = jnp.where(ge, mid, hi)
            return c2
        return jax.lax.fori_loop(0, NSLOT, per_t, c)
    jax.lax.fori_loop(0, SEARCH_ITERS, step, 0)

    def mke(k, c):
        a = jax.lax.bitcast_convert_type(lo_ref[2 * k], jnp.float32)
        b = jax.lax.bitcast_convert_type(lo_ref[2 * k + 1], jnp.float32)
        edge_ref[k] = a + fracs_ref[k] * (b - a)
        return c
    jax.lax.fori_loop(0, NBINS + 1, mke, 0)

    acc = acc_ref[...]

    def binloop(b, tot):
        lo = edge_ref[b]
        up = edge_ref[b + 1]
        msk = (conf > lo) & (conf <= up)
        cnt = jnp.sum(jnp.where(msk, 1.0, 0.0))
        sc = jnp.sum(jnp.where(msk, conf, 0.0))
        sa = jnp.sum(jnp.where(msk, acc, 0.0))
        safe = jnp.maximum(cnt, 1.0)
        contrib = jnp.where(cnt > 0.0,
                            jnp.abs(sc / safe - sa / safe) * (cnt / N), 0.0)
        return tot + contrib
    ece = jax.lax.fori_loop(0, NBINS, binloop, jnp.float32(0.0))
    out_ref[0] = ece


def _stage1(softmax_in, labels_i32):
    lab3 = labels_i32.reshape(NBLK, 1, RB)
    conf3, acc3 = pl.pallas_call(
        _stage1_kernel,
        grid=(NBLK,),
        in_specs=[
            pl.BlockSpec((RB, C), lambda i: (i, 0)),
            pl.BlockSpec((1, 1, RB), lambda i: (i, 0, 0)),
        ],
        out_specs=[
            pl.BlockSpec((1, 1, RB), lambda i: (i, 0, 0)),
            pl.BlockSpec((1, 1, RB), lambda i: (i, 0, 0)),
        ],
        out_shape=[
            jax.ShapeDtypeStruct((NBLK, 1, RB), jnp.float32),
            jax.ShapeDtypeStruct((NBLK, 1, RB), jnp.float32),
        ],
    )(softmax_in, lab3)
    return conf3.reshape(N), acc3.reshape(N)


def _stage2(conf, acc, ranks, fracs, b1s):
    conf_p = jnp.pad(conf, (0, PADN - N),
                     constant_values=jnp.inf).reshape(PAD_ROWS, 128)
    acc_p = jnp.pad(acc, (0, PADN - N)).reshape(PAD_ROWS, 128)
    out = pl.pallas_call(
        _stage2_kernel,
        in_specs=[
            pl.BlockSpec(memory_space=pltpu.SMEM),
            pl.BlockSpec(memory_space=pltpu.SMEM),
            pl.BlockSpec(memory_space=pltpu.SMEM),
            pl.BlockSpec((PAD_ROWS, 128), lambda: (0, 0)),
            pl.BlockSpec((PAD_ROWS, 128), lambda: (0, 0)),
        ],
        out_specs=pl.BlockSpec(memory_space=pltpu.SMEM),
        out_shape=jax.ShapeDtypeStruct((1,), jnp.float32),
        scratch_shapes=[
            pltpu.SMEM((NSLOT,), jnp.int32),
            pltpu.SMEM((NSLOT,), jnp.int32),
            pltpu.SMEM((NBINS + 1,), jnp.float32),
        ],
    )(ranks, fracs, b1s, conf_p, acc_p)
    return out


def kernel(softmax_in, labels):
    labels_i32 = labels.astype(jnp.int32)
    conf, acc = _stage1(softmax_in, labels_i32)

    q = jnp.linspace(0.0, float(N), NBINS + 1)
    iq = jnp.floor(q).astype(jnp.int32)
    frac = q - iq.astype(jnp.float32)
    oob = q >= jnp.float32(N - 1)
    frac = jnp.where(oob, 0.0, frac).astype(jnp.float32)
    lo_rank = jnp.where(oob, N - 1, jnp.clip(iq, 0, N - 1))
    hi_rank = jnp.minimum(lo_rank + 1, N - 1)
    ranks = jnp.stack([lo_rank, hi_rank], axis=1).reshape(NSLOT).astype(jnp.int32)

    keys = jax.lax.bitcast_convert_type(conf, jnp.int32)
    keys_p = jnp.pad(keys, (0, SC_NPAD - N), constant_values=PAD_KEY)
    h1 = _sc_hist(keys_p)
    b1s = _locate(h1, ranks)

    return _stage2(conf, acc, ranks, frac, b1s)

# --- scband reference (transcript-rebuilt; emitter-appended) ---
"""Pipeline reference for scband-adaptive-eceloss-63075889709662 (READ-ONLY COPY).

The authoritative reference and input builder live on the scoring server;
editing this copy changes nothing except your own understanding.
"""

import jax, jax.numpy as jnp
import numpy as np

N_BINS = 15

def setup_inputs(seed: int = 0) -> dict:
    key = jax.random.key(seed)
    k1, k2 = jax.random.split(key)
    softmax_in = jax.random.uniform(k1, (500000, 100), dtype=jnp.float32)
    labels = jax.random.randint(k2, (500000,), 0, 100, dtype=jnp.int64)
    return {"softmax_in": softmax_in, "labels": labels}

def reference(softmax_in, labels):
    nbins = N_BINS
    confidences = jnp.max(softmax_in, axis=1)
    predictions = jnp.argmax(softmax_in, axis=1)
    accuracies = (predictions == labels).astype(jnp.float32)
    npt = confidences.shape[0]
    sorted_conf = jnp.sort(confidences)
    # histedges_equalN: np.interp(np.linspace(0, npt, nbins+1), np.arange(npt), sorted)
    edges = jnp.interp(
        jnp.linspace(0.0, float(npt), nbins + 1),
        jnp.arange(npt, dtype=jnp.float32),
        sorted_conf,
    )
    bin_lowers = edges[:-1]
    bin_uppers = edges[1:]
    # vectorized over bins: in_bin[b, i] = lower_b < conf_i <= upper_b
    in_bin = (confidences[None, :] > bin_lowers[:, None]) & (confidences[None, :] <= bin_uppers[:, None])
    in_bin_f = in_bin.astype(jnp.float32)
    count = in_bin_f.sum(axis=1)
    prop_in_bin = count / float(npt)
    sum_acc = in_bin_f @ accuracies
    sum_conf = in_bin_f @ confidences
    safe_count = jnp.maximum(count, 1.0)
    accuracy_in_bin = sum_acc / safe_count
    avg_confidence_in_bin = sum_conf / safe_count
    contrib = jnp.where(count > 0, jnp.abs(avg_confidence_in_bin - accuracy_in_bin) * prop_in_bin, 0.0)
    ece = jnp.sum(contrib)
    return ece.reshape(1)

if __name__ == "__main__":
    import jax
    _d = setup_inputs()
    print(jax.jit(kernel)(*tuple(_d.values())))

</pallas_src>

<mosaic_0001>
#map = affine_map<(d0, d1) -> (0)>
#map1 = affine_map<(d0, d1) -> (0, 0)>
module attributes {stable_mosaic.version = 14 : i64} {
  func.func @_sc_hist_body(%arg0: i32, %arg1: i32, %arg2: memref<503808xi32, #tpu.memory_space<hbm>>, %arg3: memref<2x1024xi32, #tpu.memory_space<hbm>>, %arg4: memref<15744xi32, #tpu.memory_space<vmem>>, %arg5: memref<128xi32, #tpu.memory_space<vmem>>, %arg6: memref<128xi32, #tpu.memory_space<vmem>>, %arg7: memref<64xi32, #tpu.memory_space<vmem>>, %arg8: memref<1024xi32, #tpu.memory_space<vmem_shared>>) attributes {dimension_semantics = [#tpu.dimension_semantics<core_parallel>, #tpu.dimension_semantics<subcore_parallel>], iteration_bounds = array<i64: 2, 16>, scalar_prefetch = 0 : i64, scratch_operands = 5 : i64, tpu.core_type = #tpu.core_type<sc_vector_subcore>, window_params = [{transform_indices = #map}, {transform_indices = #map1}]} {
    %mul3A = arith.constant 16 : i32
    %mul3A_0 = arith.muli %arg0, %mul3A : i32
    %add3A = arith.addi %mul3A_0, %arg1 : i32
    %mul3A_1 = arith.constant 15744 : i32
    %mul3A_2 = arith.muli %add3A, %mul3A_1 : i32
    "tpu.region"() ({
      %run_scoped3A = tpu.sem_alloc : memref<!tpu.dma_semaphore, #tpu.memory_space<semaphore_mem>>
      %dma_start3A = tpu.memref_slice %arg2[%mul3A_2] : memref<503808xi32, #tpu.memory_space<hbm>> -> memref<15744xi32, #tpu.memory_space<hbm>>
      %dma_start3A_26 = tpu.memref_slice %arg2[%mul3A_2] : memref<503808xi32, #tpu.memory_space<hbm>> -> memref<15744xi32, #tpu.memory_space<hbm>>
      tpu.enqueue_dma source(%dma_start3A_26 : memref<15744xi32, #tpu.memory_space<hbm>>) target(%arg4 : memref<15744xi32, #tpu.memory_space<vmem>>) target_semaphore(%run_scoped3A : memref<!tpu.dma_semaphore, #tpu.memory_space<semaphore_mem>>)
      %dma_wait3A = tpu.memref_slice %arg2[%mul3A_2] : memref<503808xi32, #tpu.memory_space<hbm>> -> memref<15744xi32, #tpu.memory_space<hbm>>
      %dma_wait3A_27 = tpu.memref_slice %arg2[%mul3A_2] : memref<503808xi32, #tpu.memory_space<hbm>> -> memref<15744xi32, #tpu.memory_space<hbm>>
      tpu.wait_dma2 semaphore(%run_scoped3A : memref<!tpu.dma_semaphore, #tpu.memory_space<semaphore_mem>>) src(%dma_wait3A_27 : memref<15744xi32, #tpu.memory_space<hbm>>) dst(%arg4 : memref<15744xi32, #tpu.memory_space<vmem>>)
      tpu.yield
    }) : () -> ()
    %broadcast_in_dim3A = arith.constant 0 : i32
    %broadcast_in_dim3A_3 = vector.broadcast %broadcast_in_dim3A : i32 to vector<16xi32>
    %scan3A = arith.constant 0 : i32
    %scan3A_4 = arith.constant 0 : i32
    %scan3A_5 = arith.constant 4 : i32
    %scan3A_6 = arith.addi %scan3A_4, %scan3A_5 : i32
    %scan3A_7 = arith.constant 1 : i32
    scf.for %scan3A_26 = %scan3A_4 to %scan3A_6 step %scan3A_7  : i32 {
      %mul3A_27 = arith.constant 16 : i32
      %mul3A_28 = arith.muli %scan3A_26, %mul3A_27 : i32
      %swap3A = arith.index_cast %mul3A_28 : i32 to index
      %swap3A_29 = tpu.vector_load %arg7[%swap3A] {strides = array<i32>} : memref<64xi32, #tpu.memory_space<vmem>>, vector<16xi32>,
      %swap3A_30 = vector.shape_cast %swap3A_29 : vector<16xi32> to vector<16xi32>
      %swap3A_31 = vector.shape_cast %broadcast_in_dim3A_3 : vector<16xi32> to vector<16xi32>
      tpu.vector_store %arg7[%swap3A], %swap3A_31 {strides = array<i32>} : memref<64xi32, #tpu.memory_space<vmem>>, vector<16xi32>,
    }
    %scan3A_8 = arith.constant 4 : i32
    %mul3A_9 = arith.constant 64 : i32
    %mul3A_10 = arith.muli %arg1, %mul3A_9 : i32
    "tpu.region"() ({
      %run_scoped3A = tpu.sem_alloc : memref<!tpu.dma_semaphore, #tpu.memory_space<semaphore_mem>>
      %dma_start3A = tpu.memref_slice %arg8[%mul3A_10] : memref<1024xi32, #tpu.memory_space<vmem_shared>> -> memref<64xi32, #tpu.memory_space<vmem_shared>>
      %dma_start3A_26 = tpu.memref_slice %arg8[%mul3A_10] : memref<1024xi32, #tpu.memory_space<vmem_shared>> -> memref<64xi32, #tpu.memory_space<vmem_shared>>
      tpu.enqueue_dma source(%arg7 : memref<64xi32, #tpu.memory_space<vmem>>) target(%dma_start3A_26 : memref<64xi32, #tpu.memory_space<vmem_shared>>) target_semaphore(%run_scoped3A : memref<!tpu.dma_semaphore, #tpu.memory_space<semaphore_mem>>)
      %dma_wait3A = tpu.memref_slice %arg8[%mul3A_10] : memref<1024xi32, #tpu.memory_space<vmem_shared>> -> memref<64xi32, #tpu.memory_space<vmem_shared>>
      %dma_wait3A_27 = tpu.memref_slice %arg8[%mul3A_10] : memref<1024xi32, #tpu.memory_space<vmem_shared>> -> memref<64xi32, #tpu.memory_space<vmem_shared>>
      tpu.wait_dma2 semaphore(%run_scoped3A : memref<!tpu.dma_semaphore, #tpu.memory_space<semaphore_mem>>) src(%arg7 : memref<64xi32, #tpu.memory_space<vmem>>) dst(%dma_wait3A_27 : memref<64xi32, #tpu.memory_space<vmem_shared>>)
      tpu.yield
    }) : () -> ()
    %scan3A_11 = arith.constant 0 : i32
    %scan3A_12 = arith.constant 0 : i32
    %scan3A_13 = arith.constant 8 : i32
    %scan3A_14 = arith.addi %scan3A_12, %scan3A_13 : i32
    %scan3A_15 = arith.constant 1 : i32
    scf.for %scan3A_26 = %scan3A_12 to %scan3A_14 step %scan3A_15  : i32 {
      %broadcast_in_dim3A_27 = arith.constant 1 : i32
      %broadcast_in_dim3A_28 = vector.broadcast %broadcast_in_dim3A_27 : i32 to vector<16xi32>
      %mul3A_29 = arith.constant 16 : i32
      %mul3A_30 = arith.muli %scan3A_26, %mul3A_29 : i32
      %swap3A = arith.index_cast %mul3A_30 : i32 to index
      %swap3A_31 = tpu.vector_load %arg6[%swap3A] {strides = array<i32>} : memref<128xi32, #tpu.memory_space<vmem>>, vector<16xi32>,
      %swap3A_32 = vector.shape_cast %swap3A_31 : vector<16xi32> to vector<16xi32>
      %swap3A_33 = vector.shape_cast %broadcast_in_dim3A_28 : vector<16xi32> to vector<16xi32>
      tpu.vector_store %arg6[%swap3A], %swap3A_33 {strides = array<i32>} : memref<128xi32, #tpu.memory_space<vmem>>, vector<16xi32>,
    }
    %scan3A_16 = arith.constant 8 : i32
    %barrier3A = arith.constant 0 : index
    tpu.barrier barrier_id(%barrier3A)
    %scan3A_17 = arith.constant 0 : i32
    %scan3A_18 = arith.constant 0 : i32
    %scan3A_19 = arith.constant 123 : i32
    %scan3A_20 = arith.addi %scan3A_18, %scan3A_19 : i32
    %scan3A_21 = arith.constant 1 : i32
    scf.for %scan3A_26 = %scan3A_18 to %scan3A_20 step %scan3A_21  : i32 {
      %scan3A_27 = arith.constant 0 : i32
      %scan3A_28 = arith.constant 0 : i32
      %scan3A_29 = arith.constant 8 : i32
      %scan3A_30 = arith.addi %scan3A_28, %scan3A_29 : i32
      %scan3A_31 = arith.constant 1 : i32
      scf.for %scan3A_33 = %scan3A_28 to %scan3A_30 step %scan3A_31  : i32 {
        %mul3A_34 = arith.constant 8 : i32
        %mul3A_35 = arith.muli %scan3A_26, %mul3A_34 : i32
        %add3A_36 = arith.addi %mul3A_35, %scan3A_33 : i32
        %mul3A_37 = arith.constant 16 : i32
        %mul3A_38 = arith.muli %add3A_36, %mul3A_37 : i32
        %get3A = arith.index_cast %mul3A_38 : i32 to index
        %get3A_39 = tpu.vector_load %arg4[%get3A] {strides = array<i32>} : memref<15744xi32, #tpu.memory_space<vmem>>, vector<16xi32>,
        %get3A_40 = vector.shape_cast %get3A_39 : vector<16xi32> to vector<16xi32>
        %shift_right_arithmetic3A = arith.constant 20 : i32
        %shift_right_arithmetic3A_41 = vector.broadcast %shift_right_arithmetic3A : i32 to vector<16xi32>
        %shift_right_arithmetic3A_42 = arith.shrsi %get3A_40, %shift_right_arithmetic3A_41 : vector<16xi32>
        %mul3A_43 = arith.constant 16 : i32
        %mul3A_44 = arith.muli %scan3A_33, %mul3A_43 : i32
        %swap3A = arith.index_cast %mul3A_44 : i32 to index
        %swap3A_45 = tpu.vector_load %arg5[%swap3A] {strides = array<i32>} : memref<128xi32, #tpu.memory_space<vmem>>, vector<16xi32>,
        %swap3A_46 = vector.shape_cast %swap3A_45 : vector<16xi32> to vector<16xi32>
        %swap3A_47 = vector.shape_cast %shift_right_arithmetic3A_42 : vector<16xi32> to vector<16xi32>
        tpu.vector_store %arg5[%swap3A], %swap3A_47 {strides = array<i32>} : memref<128xi32, #tpu.memory_space<vmem>>, vector<16xi32>,
      }
      %scan3A_32 = arith.constant 8 : i32
      "tpu.region"() ({
        %run_scoped3A = tpu.sem_alloc : memref<!tpu.dma_semaphore, #tpu.memory_space<semaphore_mem>>
        %dma_start3A = arith.constant 0 : i32
        %dma_start3A_33 = tpu.memref_slice %arg8[%dma_start3A] : memref<1024xi32, #tpu.memory_space<vmem_shared>> -> memref<1024xi32, #tpu.memory_space<vmem_shared>>
        tpu.enqueue_indirect_dma source(%arg6 : memref<128xi32, #tpu.memory_space<vmem>>) target(%dma_start3A_33 : memref<1024xi32, #tpu.memory_space<vmem_shared>>) offsets(%arg5 : memref<128xi32, #tpu.memory_space<vmem>>) semaphore(%run_scoped3A : memref<!tpu.dma_semaphore, #tpu.memory_space<semaphore_mem>>) {add = true}
        %dma_wait3A = arith.constant 0 : i32
        %dma_wait3A_34 = tpu.memref_slice %arg8[%dma_wait3A] : memref<1024xi32, #tpu.memory_space<vmem_shared>> -> memref<1024xi32, #tpu.memory_space<vmem_shared>>
        tpu.wait_indirect_dma semaphore(%run_scoped3A : memref<!tpu.dma_semaphore, #tpu.memory_space<semaphore_mem>>) src(%arg6 : memref<128xi32, #tpu.memory_space<vmem>>) dst(%dma_wait3A_34 : memref<1024xi32, #tpu.memory_space<vmem_shared>>)
        tpu.yield
      }) : () -> ()
    }
    %scan3A_22 = arith.constant 123 : i32
    %barrier3A_23 = arith.constant 0 : index
    tpu.barrier barrier_id(%barrier3A_23)
    %eq3A = arith.constant 0 : i32
    %eq3A_24 = arith.cmpi eq, %arg1, %eq3A : i32
    %convert_element_type3A = arith.extui %eq3A_24 : i1 to i32
    %cond3A = arith.constant 0 : i32
    %cond3A_25 = arith.cmpi ne, %convert_element_type3A, %cond3A : i32
    scf.if %cond3A_25 {
      "tpu.region"() ({
        %run_scoped3A = tpu.sem_alloc : memref<!tpu.dma_semaphore, #tpu.memory_space<semaphore_mem>>
        %dma_start3A = arith.constant 0 : i32
        %dma_start3A_26 = tpu.memref_slice %arg3[%arg0, %dma_start3A] : memref<2x1024xi32, #tpu.memory_space<hbm>> -> memref<1x1024xi32, #tpu.memory_space<hbm>>
        %dma_start3A_27 = tpu.memref_squeeze %dma_start3A_26 : memref<1x1024xi32, #tpu.memory_space<hbm>> -> memref<1024xi32, #tpu.memory_space<hbm>>
        tpu.enqueue_dma source(%arg8 : memref<1024xi32, #tpu.memory_space<vmem_shared>>) target(%dma_start3A_27 : memref<1024xi32, #tpu.memory_space<hbm>>) target_semaphore(%run_scoped3A : memref<!tpu.dma_semaphore, #tpu.memory_space<semaphore_mem>>)
        %dma_wait3A = arith.constant 0 : i32
        %dma_wait3A_28 = tpu.memref_slice %arg3[%arg0, %dma_wait3A] : memref<2x1024xi32, #tpu.memory_space<hbm>> -> memref<1x1024xi32, #tpu.memory_space<hbm>>
        %dma_wait3A_29 = tpu.memref_squeeze %dma_wait3A_28 : memref<1x1024xi32, #tpu.memory_space<hbm>> -> memref<1024xi32, #tpu.memory_space<hbm>>
        tpu.wait_dma2 semaphore(%run_scoped3A : memref<!tpu.dma_semaphore, #tpu.memory_space<semaphore_mem>>) src(%arg8 : memref<1024xi32, #tpu.memory_space<vmem_shared>>) dst(%dma_wait3A_29 : memref<1024xi32, #tpu.memory_space<hbm>>)
        tpu.yield
      }) : () -> ()
    } else {
    }
    return
  }
}

module attributes {stable_mosaic.version = 14 : i64} {
  func.func @_stage1_kernel(%arg0: i32, %arg1: memref<5000x100xf32, #tpu.memory_space<vmem>>, %arg2: memref<1x1x5000xi32, #tpu.memory_space<vmem>>, %arg3: memref<1x1x5000xf32, #tpu.memory_space<vmem>>, %arg4: memref<1x1x5000xf32, #tpu.memory_space<vmem>>) attributes {dimension_semantics = [#tpu.dimension_semantics<arbitrary>], iteration_bounds = array<i64: 100>, scalar_prefetch = 0 : i64, scratch_operands = 0 : i64, tpu.core_type = #tpu.core_type<tc>, window_params = [{transform_indices = @transform_0, window_bounds = array<i64: 5000, 100>}, {transform_indices = @transform_1, window_bounds = array<i64: 1, 1, 5000>}, {transform_indices = @transform_2, window_bounds = array<i64: 1, 1, 5000>}, {transform_indices = @transform_3, window_bounds = array<i64: 1, 1, 5000>}]} {
    %get3A = arith.constant 0 : index
    %get3A_0 = arith.constant 0 : index
    %get3A_1 = vector.load %arg1[%get3A, %get3A_0] : memref<5000x100xf32, #tpu.memory_space<vmem>>, vector<5000x100xf32>
    %get3A_2 = arith.constant 0 : index
    %get3A_3 = arith.constant 0 : index
    %get3A_4 = arith.constant 0 : index
    %get3A_5 = vector.load %arg2[%get3A_2, %get3A_3, %get3A_4] : memref<1x1x5000xi32, #tpu.memory_space<vmem>>, vector<1x1x5000xi32>
    %get3A_6 = vector.shape_cast %get3A_5 : vector<1x1x5000xi32> to vector<5000xi32>
    %reduce_max3A = arith.constant dense<0xFF800000> : vector<5000xf32>
    %reduce_max3A_7 = vector.multi_reduction <maximumf>, %get3A_1, %reduce_max3A [1] : vector<5000x100xf32> to vector<5000xf32>
    %iota3A = tpu.iota {dimensions = array<i32: 1>} : vector<5000x100xi32>
    %broadcast_in_dim3A = vector.shape_cast %get3A_6 : vector<5000xi32> to vector<5000x1xi32>
    %eq3A = vector.broadcast %broadcast_in_dim3A : vector<5000x1xi32> to vector<5000x100xi32>
    %eq3A_8 = arith.cmpi eq, %iota3A, %eq3A : vector<5000x100xi32>
    %lt3A = vector.broadcast %broadcast_in_dim3A : vector<5000x1xi32> to vector<5000x100xi32>
    %lt3A_9 = arith.cmpi slt, %iota3A, %lt3A : vector<5000x100xi32>
    %jit3A = arith.constant 2.000000e+02 : f32
    %jit3A_10 = arith.constant 0.000000e+00 : f32
    %broadcast_in_dim3A_11 = vector.broadcast %jit3A : f32 to vector<5000x100xf32>
    %broadcast_in_dim3A_12 = vector.broadcast %jit3A_10 : f32 to vector<5000x100xf32>
    %select_n3A = arith.select %lt3A_9, %broadcast_in_dim3A_11, %broadcast_in_dim3A_12 : vector<5000x100xi1>, vector<5000x100xf32>
    %jit3A_13 = arith.constant 1.000000e+00 : f32
    %broadcast_in_dim3A_14 = vector.broadcast %jit3A_13 : f32 to vector<5000x100xf32>
    %select_n3A_15 = arith.select %eq3A_8, %broadcast_in_dim3A_14, %select_n3A : vector<5000x100xi1>, vector<5000x100xf32>
    %broadcast_in_dim3A_16 = vector.shape_cast %reduce_max3A_7 : vector<5000xf32> to vector<5000x1xf32>
    %eq3A_17 = vector.broadcast %broadcast_in_dim3A_16 : vector<5000x1xf32> to vector<5000x100xf32>
    %eq3A_18 = arith.cmpf oeq, %get3A_1, %eq3A_17 : vector<5000x100xf32>
    %jit3A_19 = arith.constant 0.000000e+00 : f32
    %broadcast_in_dim3A_20 = vector.broadcast %jit3A_19 : f32 to vector<5000x100xf32>
    %select_n3A_21 = arith.select %eq3A_18, %select_n3A_15, %broadcast_in_dim3A_20 : vector<5000x100xi1>, vector<5000x100xf32>
    %broadcast_in_dim3A_22 = arith.constant 1.000000e+00 : f32
    %broadcast_in_dim3A_23 = vector.broadcast %broadcast_in_dim3A_22 : f32 to vector<100x1xf32>
    %dot_general3A = arith.constant dense<0.000000e+00> : vector<5000x1xf32>
    %dot_general3A_24 = tpu.matmul %select_n3A_21, %broadcast_in_dim3A_23, %dot_general3A {dimension_numbers = #tpu.dot_dimension_numbers<[1], [0], [0], [1], [0, 0, 1, 1], [], []>, transpose_lhs_hint = false} : vector<5000x100xf32>, vector<100x1xf32>, vector<5000x1xf32> -> vector<5000x1xf32>
    %squeeze3A = vector.shape_cast %dot_general3A_24 : vector<5000x1xf32> to vector<5000xf32>
    %swap3A = arith.constant 0 : index
    %swap3A_25 = arith.constant 0 : index
    %swap3A_26 = arith.constant 0 : index
    %swap3A_27 = vector.load %arg3[%swap3A, %swap3A_25, %swap3A_26] : memref<1x1x5000xf32, #tpu.memory_space<vmem>>, vector<1x1x5000xf32>
    %swap3A_28 = vector.shape_cast %swap3A_27 : vector<1x1x5000xf32> to vector<5000xf32>
    %swap3A_29 = vector.shape_cast %reduce_max3A_7 : vector<5000xf32> to vector<1x1x5000xf32>
    tpu.vector_store %arg3[%swap3A, %swap3A_25, %swap3A_26], %swap3A_29 {strides = array<i32>} : memref<1x1x5000xf32, #tpu.memory_space<vmem>>, vector<1x1x5000xf32>,
    %eq3A_30 = arith.constant 1.000000e+00 : f32
    %eq3A_31 = vector.broadcast %eq3A_30 : f32 to vector<5000xf32>
    %eq3A_32 = arith.cmpf oeq, %squeeze3A, %eq3A_31 : vector<5000xf32>
    %jit3A_33 = arith.constant 1.000000e+00 : f32
    %jit3A_34 = arith.constant 0.000000e+00 : f32
    %broadcast_in_dim3A_35 = vector.broadcast %jit3A_33 : f32 to vector<5000xf32>
    %broadcast_in_dim3A_36 = vector.broadcast %jit3A_34 : f32 to vector<5000xf32>
    %select_n3A_37 = arith.select %eq3A_32, %broadcast_in_dim3A_35, %broadcast_in_dim3A_36 : vector<5000xi1>, vector<5000xf32>
    %swap3A_38 = arith.constant 0 : index
    %swap3A_39 = arith.constant 0 : index
    %swap3A_40 = arith.constant 0 : index
    %swap3A_41 = vector.load %arg4[%swap3A_38, %swap3A_39, %swap3A_40] : memref<1x1x5000xf32, #tpu.memory_space<vmem>>, vector<1x1x5000xf32>
    %swap3A_42 = vector.shape_cast %swap3A_41 : vector<1x1x5000xf32> to vector<5000xf32>
    %swap3A_43 = vector.shape_cast %select_n3A_37 : vector<5000xf32> to vector<1x1x5000xf32>
    tpu.vector_store %arg4[%swap3A_38, %swap3A_39, %swap3A_40], %swap3A_43 {strides = array<i32>} : memref<1x1x5000xf32, #tpu.memory_space<vmem>>, vector<1x1x5000xf32>,
    return
  }
  func.func @transform_0(%arg0: i32) -> (i32, i32) {
    %c0_i32 = arith.constant 0 : i32
    %c0_i32_0 = arith.constant 0 : i32
    return %arg0, %c0_i32 : i32, i32
  }
  func.func @transform_1(%arg0: i32) -> (i32, i32, i32) {
    %c0_i32 = arith.constant 0 : i32
    %c0_i32_0 = arith.constant 0 : i32
    %c0_i32_1 = arith.constant 0 : i32
    return %arg0, %c0_i32, %c0_i32_0 : i32, i32, i32
  }
  func.func @transform_2(%arg0: i32) -> (i32, i32, i32) {
    %c0_i32 = arith.constant 0 : i32
    %c0_i32_0 = arith.constant 0 : i32
    %c0_i32_1 = arith.constant 0 : i32
    return %arg0, %c0_i32, %c0_i32_0 : i32, i32, i32
  }
  func.func @transform_3(%arg0: i32) -> (i32, i32, i32) {
    %c0_i32 = arith.constant 0 : i32
    %c0_i32_0 = arith.constant 0 : i32
    %c0_i32_1 = arith.constant 0 : i32
    return %arg0, %c0_i32, %c0_i32_0 : i32, i32, i32
  }
}

module attributes {stable_mosaic.version = 14 : i64} {
  func.func @_locate_kernel(%arg0: memref<32xi32, #tpu.memory_space<smem>>, %arg1: memref<2x1024xi32, #tpu.memory_space<vmem>>, %arg2: memref<32xi32, #tpu.memory_space<smem>>) attributes {dimension_semantics = [], scalar_prefetch = 0 : i64, scratch_operands = 0 : i64, tpu.core_type = #tpu.core_type<tc>} {
    %get3A = arith.constant 0 : index
    %get3A_0 = arith.constant 0 : index
    %get3A_1 = vector.load %arg1[%get3A, %get3A_0] : memref<2x1024xi32, #tpu.memory_space<vmem>>, vector<2x1024xi32>
    %slice3A = vector.extract_strided_slice %get3A_1 {offsets = [0, 0], sizes = [1, 1024], strides = [1, 1]} : vector<2x1024xi32> to vector<1x1024xi32>
    %slice3A_2 = vector.extract_strided_slice %get3A_1 {offsets = [1, 0], sizes = [1, 1024], strides = [1, 1]} : vector<2x1024xi32> to vector<1x1024xi32>
    %add3A = arith.addi %slice3A, %slice3A_2 : vector<1x1024xi32>
    %convert_element_type3A = arith.sitofp %add3A : vector<1x1024xi32> to vector<1x1024xf32>
    %iota3A = tpu.iota {dimensions = array<i32: 0>} : vector<1024x1024xi32>
    %iota3A_3 = tpu.iota {dimensions = array<i32: 1>} : vector<1024x1024xi32>
    %le3A = arith.cmpi sle, %iota3A, %iota3A_3 : vector<1024x1024xi32>
    %jit3A = arith.constant 1.000000e+00 : f32
    %jit3A_4 = arith.constant 0.000000e+00 : f32
    %broadcast_in_dim3A = vector.broadcast %jit3A : f32 to vector<1024x1024xf32>
    %broadcast_in_dim3A_5 = vector.broadcast %jit3A_4 : f32 to vector<1024x1024xf32>
    %select_n3A = arith.select %le3A, %broadcast_in_dim3A, %broadcast_in_dim3A_5 : vector<1024x1024xi1>, vector<1024x1024xf32>
    %dot_general3A = arith.constant dense<0.000000e+00> : vector<1x1024xf32>
    %dot_general3A_6 = tpu.matmul %convert_element_type3A, %select_n3A, %dot_general3A {dimension_numbers = #tpu.dot_dimension_numbers<[1], [0], [0], [1], [0, 0, 1, 1], [], []>, precision = #tpu.contract_precision<fp32>, transpose_lhs_hint = false} : vector<1x1024xf32>, vector<1024x1024xf32>, vector<1x1024xf32> -> vector<1x1024xf32>
    %scan3A = arith.constant 0 : i32
    %scan3A_7 = arith.constant 32 : i32
    %scan3A_8 = arith.addi %scan3A, %scan3A_7 : i32
    %scan3A_9 = arith.constant 1 : i32
    scf.for %scan3A_11 = %scan3A to %scan3A_8 step %scan3A_9  : i32 {
      %get3A_12 = arith.index_cast %scan3A_11 : i32 to index
      %get3A_13 = memref.load %arg0[%get3A_12] : memref<32xi32, #tpu.memory_space<smem>>
      %convert_element_type3A_14 = arith.sitofp %get3A_13 : i32 to f32
      %le3A_15 = vector.broadcast %convert_element_type3A_14 : f32 to vector<1x1024xf32>
      %le3A_16 = arith.cmpf ole, %dot_general3A_6, %le3A_15 : vector<1x1024xf32>
      %jit3A_17 = arith.constant 1 : i32
      %jit3A_18 = arith.constant 0 : i32
      %broadcast_in_dim3A_19 = vector.broadcast %jit3A_17 : i32 to vector<1x1024xi32>
      %broadcast_in_dim3A_20 = vector.broadcast %jit3A_18 : i32 to vector<1x1024xi32>
      %select_n3A_21 = arith.select %le3A_16, %broadcast_in_dim3A_19, %broadcast_in_dim3A_20 : vector<1x1024xi1>, vector<1x1024xi32>
      %reduce_sum3A = vector.shape_cast %select_n3A_21 : vector<1x1024xi32> to vector<1x1x1024xi32>
      %reduce_sum3A_22 = arith.constant dense<0> : vector<1xi32>
      %reduce_sum3A_23 = vector.multi_reduction <add>, %reduce_sum3A, %reduce_sum3A_22 [1, 2] : vector<1x1x1024xi32> to vector<1xi32>
      %reduce_sum3A_24 = vector.shape_cast %reduce_sum3A_23 : vector<1xi32> to vector<1x1x1xi32>
      %reduce_sum3A_25 = vector.extract %reduce_sum3A_24[0, 0, 0] : i32 from vector<1x1x1xi32>
      %swap3A = arith.index_cast %scan3A_11 : i32 to index
      %swap3A_26 = memref.load %arg2[%swap3A] : memref<32xi32, #tpu.memory_space<smem>>
      memref.store %reduce_sum3A_25, %arg2[%swap3A] : memref<32xi32, #tpu.memory_space<smem>>
    }
    %scan3A_10 = arith.constant 32 : i32
    return
  }
}

module attributes {stable_mosaic.version = 14 : i64} {
  func.func @_stage2_kernel(%arg0: memref<32xi32, #tpu.memory_space<smem>>, %arg1: memref<16xf32, #tpu.memory_space<smem>>, %arg2: memref<32xi32, #tpu.memory_space<smem>>, %arg3: memref<4096x128xf32, #tpu.memory_space<vmem>>, %arg4: memref<4096x128xf32, #tpu.memory_space<vmem>>, %arg5: memref<1xf32, #tpu.memory_space<smem>>, %arg6: memref<32xi32, #tpu.memory_space<smem>>, %arg7: memref<32xi32, #tpu.memory_space<smem>>, %arg8: memref<16xf32, #tpu.memory_space<smem>>) attributes {dimension_semantics = [], scalar_prefetch = 0 : i64, scratch_operands = 3 : i64, tpu.core_type = #tpu.core_type<tc>} {
    %get3A = arith.constant 0 : index
    %get3A_0 = arith.constant 0 : index
    %get3A_1 = vector.load %arg3[%get3A, %get3A_0] : memref<4096x128xf32, #tpu.memory_space<vmem>>, vector<4096x128xf32>
    %bitcast_convert_type3A = tpu.bitcast %get3A_1 : vector<4096x128xf32> -> vector<4096x128xi32>
    %scan3A = arith.constant 0 : i32
    %scan3A_2 = arith.constant 32 : i32
    %scan3A_3 = arith.addi %scan3A, %scan3A_2 : i32
    %scan3A_4 = arith.constant 1 : i32
    scf.for %scan3A_26 = %scan3A to %scan3A_3 step %scan3A_4  : i32 {
      %get3A_27 = arith.index_cast %scan3A_26 : i32 to index
      %get3A_28 = memref.load %arg2[%get3A_27] : memref<32xi32, #tpu.memory_space<smem>>
      %shift_left3A = arith.constant 20 : i32
      %shift_left3A_29 = arith.shli %get3A_28, %shift_left3A : i32
      %swap3A_30 = arith.index_cast %scan3A_26 : i32 to index
      %swap3A_31 = memref.load %arg6[%swap3A_30] : memref<32xi32, #tpu.memory_space<smem>>
      memref.store %shift_left3A_29, %arg6[%swap3A_30] : memref<32xi32, #tpu.memory_space<smem>>
      %get3A_32 = arith.index_cast %scan3A_26 : i32 to index
      %get3A_33 = memref.load %arg2[%get3A_32] : memref<32xi32, #tpu.memory_space<smem>>
      %add3A = arith.constant 1 : i32
      %add3A_34 = arith.addi %get3A_33, %add3A : i32
      %shift_left3A_35 = arith.constant 20 : i32
      %shift_left3A_36 = arith.shli %add3A_34, %shift_left3A_35 : i32
      %sub3A = arith.constant 1 : i32
      %sub3A_37 = arith.subi %shift_left3A_36, %sub3A : i32
      %swap3A_38 = arith.index_cast %scan3A_26 : i32 to index
      %swap3A_39 = memref.load %arg7[%swap3A_38] : memref<32xi32, #tpu.memory_space<smem>>
      memref.store %sub3A_37, %arg7[%swap3A_38] : memref<32xi32, #tpu.memory_space<smem>>
    }
    %scan3A_5 = arith.constant 32 : i32
    %scan3A_6 = arith.constant 0 : i32
    %scan3A_7 = arith.constant 20 : i32
    %scan3A_8 = arith.addi %scan3A_6, %scan3A_7 : i32
    %scan3A_9 = arith.constant 1 : i32
    scf.for %scan3A_26 = %scan3A_6 to %scan3A_8 step %scan3A_9  : i32 {
      %scan3A_27 = arith.constant 0 : i32
      %scan3A_28 = arith.constant 32 : i32
      %scan3A_29 = arith.addi %scan3A_27, %scan3A_28 : i32
      %scan3A_30 = arith.constant 1 : i32
      scf.for %scan3A_32 = %scan3A_27 to %scan3A_29 step %scan3A_30  : i32 {
        %get3A_33 = arith.index_cast %scan3A_32 : i32 to index
        %get3A_34 = memref.load %arg6[%get3A_33] : memref<32xi32, #tpu.memory_space<smem>>
        %get3A_35 = arith.index_cast %scan3A_32 : i32 to index
        %get3A_36 = memref.load %arg7[%get3A_35] : memref<32xi32, #tpu.memory_space<smem>>
        %sub3A = arith.subi %get3A_36, %get3A_34 : i32
        %jit3A = arith.constant 2 : i32
        %div3A = arith.divsi %sub3A, %jit3A : i32
        %sign3A = arith.constant 0 : i32
        %sign3A_37 = arith.cmpi sgt, %sub3A, %sign3A : i32
        %sign3A_38 = arith.extui %sign3A_37 : i1 to i32
        %sign3A_39 = arith.constant 0 : i32
        %sign3A_40 = arith.cmpi slt, %sub3A, %sign3A_39 : i32
        %sign3A_41 = arith.extui %sign3A_40 : i1 to i32
        %sign3A_42 = arith.subi %sign3A_38, %sign3A_41 : i32
        %sign3A_43 = arith.constant 0 : i32
        %sign3A_44 = arith.cmpi sgt, %jit3A, %sign3A_43 : i32
        %sign3A_45 = arith.extui %sign3A_44 : i1 to i32
        %sign3A_46 = arith.constant 0 : i32
        %sign3A_47 = arith.cmpi slt, %jit3A, %sign3A_46 : i32
        %sign3A_48 = arith.extui %sign3A_47 : i1 to i32
        %sign3A_49 = arith.subi %sign3A_45, %sign3A_48 : i32
        %ne3A = arith.cmpi ne, %sign3A_42, %sign3A_49 : i32
        %rem3A = arith.remsi %sub3A, %jit3A : i32
        %ne3A_50 = arith.constant 0 : i32
        %ne3A_51 = arith.cmpi ne, %rem3A, %ne3A_50 : i32
        %and3A = arith.andi %ne3A, %ne3A_51 : i1
        %sub3A_52 = arith.constant 1 : i32
        %sub3A_53 = arith.subi %div3A, %sub3A_52 : i32
        %select_n3A = arith.select %and3A, %sub3A_53, %div3A : i32
        %add3A = arith.addi %get3A_34, %select_n3A : i32
        %le3A = vector.broadcast %add3A : i32 to vector<4096x128xi32>
        %le3A_54 = arith.cmpi sle, %bitcast_convert_type3A, %le3A : vector<4096x128xi32>
        %convert_element_type3A = arith.extui %le3A_54 : vector<4096x128xi1> to vector<4096x128xi32>
        %reduce_sum3A = vector.shape_cast %convert_element_type3A : vector<4096x128xi32> to vector<1x4096x128xi32>
        %reduce_sum3A_55 = arith.constant dense<0> : vector<1xi32>
        %reduce_sum3A_56 = vector.multi_reduction <add>, %reduce_sum3A, %reduce_sum3A_55 [1, 2] : vector<1x4096x128xi32> to vector<1xi32>
        %reduce_sum3A_57 = vector.shape_cast %reduce_sum3A_56 : vector<1xi32> to vector<1x1x1xi32>
        %reduce_sum3A_58 = vector.extract %reduce_sum3A_57[0, 0, 0] : i32 from vector<1x1x1xi32>
        %get3A_59 = arith.index_cast %scan3A_32 : i32 to index
        %get3A_60 = memref.load %arg0[%get3A_59] : memref<32xi32, #tpu.memory_space<smem>>
        %add3A_61 = arith.constant 1 : i32
        %add3A_62 = arith.addi %get3A_60, %add3A_61 : i32
        %ge3A = arith.cmpi sge, %reduce_sum3A_58, %add3A_62 : i32
        %add3A_63 = arith.constant 1 : i32
        %add3A_64 = arith.addi %add3A, %add3A_63 : i32
        %select_n3A_65 = arith.select %ge3A, %get3A_34, %add3A_64 : i32
        %swap3A_66 = arith.index_cast %scan3A_32 : i32 to index
        %swap3A_67 = memref.load %arg6[%swap3A_66] : memref<32xi32, #tpu.memory_space<smem>>
        memref.store %select_n3A_65, %arg6[%swap3A_66] : memref<32xi32, #tpu.memory_space<smem>>
        %select_n3A_68 = arith.select %ge3A, %add3A, %get3A_36 : i32
        %swap3A_69 = arith.index_cast %scan3A_32 : i32 to index
        %swap3A_70 = memref.load %arg7[%swap3A_69] : memref<32xi32, #tpu.memory_space<smem>>
        memref.store %select_n3A_68, %arg7[%swap3A_69] : memref<32xi32, #tpu.memory_space<smem>>
      }
      %scan3A_31 = arith.constant 32 : i32
    }
    %scan3A_10 = arith.constant 0 : i32
    %scan3A_11 = arith.constant 16 : i32
    %scan3A_12 = arith.addi %scan3A_10, %scan3A_11 : i32
    %scan3A_13 = arith.constant 1 : i32
    scf.for %scan3A_26 = %scan3A_10 to %scan3A_12 step %scan3A_13  : i32 {
      %mul3A = arith.constant 2 : i32
      %mul3A_27 = arith.muli %mul3A, %scan3A_26 : i32
      %get3A_28 = arith.index_cast %mul3A_27 : i32 to index
      %get3A_29 = memref.load %arg6[%get3A_28] : memref<32xi32, #tpu.memory_space<smem>>
      %bitcast_convert_type3A_30 = arith.bitcast %get3A_29 : i32 to f32
      %mul3A_31 = arith.constant 2 : i32
      %mul3A_32 = arith.muli %mul3A_31, %scan3A_26 : i32
      %add3A = arith.constant 1 : i32
      %add3A_33 = arith.addi %mul3A_32, %add3A : i32
      %get3A_34 = arith.index_cast %add3A_33 : i32 to index
      %get3A_35 = memref.load %arg6[%get3A_34] : memref<32xi32, #tpu.memory_space<smem>>
      %bitcast_convert_type3A_36 = arith.bitcast %get3A_35 : i32 to f32
      %get3A_37 = arith.index_cast %scan3A_26 : i32 to index
      %get3A_38 = memref.load %arg1[%get3A_37] : memref<16xf32, #tpu.memory_space<smem>>
      %sub3A = arith.subf %bitcast_convert_type3A_36, %bitcast_convert_type3A_30 : f32
      %mul3A_39 = arith.mulf %get3A_38, %sub3A : f32
      %add3A_40 = arith.addf %bitcast_convert_type3A_30, %mul3A_39 : f32
      %swap3A_41 = arith.index_cast %scan3A_26 : i32 to index
      %swap3A_42 = memref.load %arg8[%swap3A_41] : memref<16xf32, #tpu.memory_space<smem>>
      memref.store %add3A_40, %arg8[%swap3A_41] : memref<16xf32, #tpu.memory_space<smem>>
    }
    %scan3A_14 = arith.constant 16 : i32
    %get3A_15 = arith.constant 0 : index
    %get3A_16 = arith.constant 0 : index
    %get3A_17 = vector.load %arg4[%get3A_15, %get3A_16] : memref<4096x128xf32, #tpu.memory_space<vmem>>, vector<4096x128xf32>
    %scan3A_18 = arith.constant 0.000000e+00 : f32
    %scan3A_19 = arith.constant 0 : i32
    %scan3A_20 = arith.constant 15 : i32
    %scan3A_21 = arith.addi %scan3A_19, %scan3A_20 : i32
    %scan3A_22 = arith.constant 1 : i32
    %scan3A_23 = scf.for %scan3A_26 = %scan3A_19 to %scan3A_21 step %scan3A_22 iter_args(%scan3A_27 = %scan3A_18) -> (f32)  : i32 {
      %get3A_28 = arith.index_cast %scan3A_26 : i32 to index
      %get3A_29 = memref.load %arg8[%get3A_28] : memref<16xf32, #tpu.memory_space<smem>>
      %add3A = arith.constant 1 : i32
      %add3A_30 = arith.addi %scan3A_26, %add3A : i32
      %get3A_31 = arith.index_cast %add3A_30 : i32 to index
      %get3A_32 = memref.load %arg8[%get3A_31] : memref<16xf32, #tpu.memory_space<smem>>
      %gt3A = vector.broadcast %get3A_29 : f32 to vector<4096x128xf32>
      %gt3A_33 = arith.cmpf ogt, %get3A_1, %gt3A : vector<4096x128xf32>
      %le3A = vector.broadcast %get3A_32 : f32 to vector<4096x128xf32>
      %le3A_34 = arith.cmpf ole, %get3A_1, %le3A : vector<4096x128xf32>
      %and3A = arith.andi %gt3A_33, %le3A_34 : vector<4096x128xi1>
      %jit3A = arith.constant 1.000000e+00 : f32
      %jit3A_35 = arith.constant 0.000000e+00 : f32
      %broadcast_in_dim3A = vector.broadcast %jit3A : f32 to vector<4096x128xf32>
      %broadcast_in_dim3A_36 = vector.broadcast %jit3A_35 : f32 to vector<4096x128xf32>
      %select_n3A = arith.select %and3A, %broadcast_in_dim3A, %broadcast_in_dim3A_36 : vector<4096x128xi1>, vector<4096x128xf32>
      %reduce_sum3A = vector.shape_cast %select_n3A : vector<4096x128xf32> to vector<1x4096x128xf32>
      %reduce_sum3A_37 = arith.constant dense<0.000000e+00> : vector<1xf32>
      %reduce_sum3A_38 = vector.multi_reduction <add>, %reduce_sum3A, %reduce_sum3A_37 [1, 2] : vector<1x4096x128xf32> to vector<1xf32>
      %reduce_sum3A_39 = vector.shape_cast %reduce_sum3A_38 : vector<1xf32> to vector<1x1x1xf32>
      %reduce_sum3A_40 = vector.extract %reduce_sum3A_39[0, 0, 0] : f32 from vector<1x1x1xf32>
      %jit3A_41 = arith.constant 0.000000e+00 : f32
      %broadcast_in_dim3A_42 = vector.broadcast %jit3A_41 : f32 to vector<4096x128xf32>
      %select_n3A_43 = arith.select %and3A, %get3A_1, %broadcast_in_dim3A_42 : vector<4096x128xi1>, vector<4096x128xf32>
      %reduce_sum3A_44 = vector.shape_cast %select_n3A_43 : vector<4096x128xf32> to vector<1x4096x128xf32>
      %reduce_sum3A_45 = arith.constant dense<0.000000e+00> : vector<1xf32>
      %reduce_sum3A_46 = vector.multi_reduction <add>, %reduce_sum3A_44, %reduce_sum3A_45 [1, 2] : vector<1x4096x128xf32> to vector<1xf32>
      %reduce_sum3A_47 = vector.shape_cast %reduce_sum3A_46 : vector<1xf32> to vector<1x1x1xf32>
      %reduce_sum3A_48 = vector.extract %reduce_sum3A_47[0, 0, 0] : f32 from vector<1x1x1xf32>
      %jit3A_49 = arith.constant 0.000000e+00 : f32
      %broadcast_in_dim3A_50 = vector.broadcast %jit3A_49 : f32 to vector<4096x128xf32>
      %select_n3A_51 = arith.select %and3A, %get3A_17, %broadcast_in_dim3A_50 : vector<4096x128xi1>, vector<4096x128xf32>
      %reduce_sum3A_52 = vector.shape_cast %select_n3A_51 : vector<4096x128xf32> to vector<1x4096x128xf32>
      %reduce_sum3A_53 = arith.constant dense<0.000000e+00> : vector<1xf32>
      %reduce_sum3A_54 = vector.multi_reduction <add>, %reduce_sum3A_52, %reduce_sum3A_53 [1, 2] : vector<1x4096x128xf32> to vector<1xf32>
      %reduce_sum3A_55 = vector.shape_cast %reduce_sum3A_54 : vector<1xf32> to vector<1x1x1xf32>
      %reduce_sum3A_56 = vector.extract %reduce_sum3A_55[0, 0, 0] : f32 from vector<1x1x1xf32>
      %max3A = arith.constant 1.000000e+00 : f32
      %max3A_57 = arith.maximumf %reduce_sum3A_40, %max3A : f32
      %gt3A_58 = arith.constant 0.000000e+00 : f32
      %gt3A_59 = arith.cmpf ogt, %reduce_sum3A_40, %gt3A_58 : f32
      %div3A = arith.divf %reduce_sum3A_48, %max3A_57 : f32
      %div3A_60 = arith.divf %reduce_sum3A_56, %max3A_57 : f32
      %sub3A = arith.subf %div3A, %div3A_60 : f32
      %abs3A = math.absf %sub3A : f32
      %div3A_61 = arith.constant 5.000000e+05 : f32
      %div3A_62 = arith.divf %reduce_sum3A_40, %div3A_61 : f32
      %mul3A = arith.mulf %abs3A, %div3A_62 : f32
      %jit3A_63 = arith.constant 0.000000e+00 : f32
      %select_n3A_64 = arith.select %gt3A_59, %mul3A, %jit3A_63 : f32
      %add3A_65 = arith.addf %scan3A_27, %select_n3A_64 : f32
      scf.yield %add3A_65 : f32
    }
    %scan3A_24 = arith.constant 15 : i32
    %swap3A = arith.constant 0 : index
    %swap3A_25 = memref.load %arg5[%swap3A] : memref<1xf32, #tpu.memory_space<smem>>
    memref.store %scan3A_23, %arg5[%swap3A] : memref<1xf32, #tpu.memory_space<smem>>
    return
  }
}

</mosaic_0001>

<sc_bundles>
// kernel: kernel.6.cloned.1.call-start
scs
__scs_entry_jumppad:
0x0: {  	(pc) =	sbr.rel $0x88, $3  }
0x1: {  	(tag) =	ssettag $0x0;
	lr =	simm.s32 $0x1  }
0x2: {  	[smem:$0x3F9F] =	sst lr;
	_ =	strace $0xD0000000  }
0x3: {  	_ = 	snop  }
0x4: {  	_ = 	snop  }
0x5: {  	_ = 	snop  }
0x6: {  	_ = 	snop  }
0x7: {  	_ = 	snop  }
__scs_overlays_trampoline_lowered:
0x8: {  	[smem:$0x3FAE] =	sst s0  }
0x9: {  	[smem:$0x3FAF] =	sst s1  }
0xa: {  	[smem:$0x3FB0] =	sst s2  }
0xb: {  	[smem:$0x3FB1] =	sst s3  }
0xc: {  	[smem:$0x3FB2] =	sst s4  }
0xd: {  	[smem:$0x3FB3] =	sst s5  }
0xe: {  	[smem:$0x3FB4] =	sst s6  }
0xf: {  	[smem:$0x3FB5] =	sst s7  }
0x10: {  	[smem:$0x3FB6] =	sst s8  }
0x11: {  	[smem:$0x3FB7] =	sst s9;
	s0 =	simm.s32 @!p0 $0x0  }
0x12: {  	s1 =	sld [smem:$0x3F9D];
	s0 =	simm.s32 @p0 $0x1  }
0x13: {  	[smem:$0x3FB8] =	sst s0;
	s0 =	simm.s32 @!p1 $0x0  }
0x14: {  	s2 =	sld [smem:$0x3F9C];
	s0 =	simm.s32 @p1 $0x1  }
0x15: {  	[smem:$0x3FB9] =	sst s0;
	s0 =	simm.s32 @!p2 $0x0  }
0x16: {  	s3 =	sld [smem:$0x3FDB];
	s0 =	simm.s32 @p2 $0x1  }
0x17: {  	s4 =	simm.s32 $0x1BF5;
	[smem:$0x3FBB] =	sst s0  }
0x18: {  	s0 =	sld [smem:$0x3F9E];
	_ =	swait.ge [sflag:s4], $0x0  }
0x19: {  	s7 =	sld [smem:$0x3F9F]  }
0x1a: {  	s8 =	sadd.s32 $0xFFFFE003, lr  }
0x1b: {  	s9 =	sadd.s32 $0xFFFFFEF7, lr;
	s5 =	simm.s32 $0xFFFFFFFF;
	p2 =	slt.u32 s8, $0xFFFFF086  }
0x1c: {  	p1 =	slt.u32 s9, $0xF7A;
	s5 =	simm.s32 @!p2 $0x0  }
0x1d: {  	s5 =	simm.s32 @p1 $0x1;
	p0 =	seq.s32 s7, s2  }
0x1e: {  	s7 =	smul.u32 @!p0 $0xF7A, s2;
	p2 =	seq.s32 @!p0 s5, $0x0  }
0x1f: {  	s9 =	smul.u32 $0xF7A, s1;
	s8 =	simm.s32 @!p0 $0x1BF5;
	p2 =	por !p2, p0  }
0x20: {  	[sflag:s8] =	ssyncset.s32 @!p0 $0xFFFFF086;
	s6 =	sadd.s32 @!p0 s3, s7;
	s7 =	simm.s32 @!p0 $0x108  }
0x21: {  	s3 =	sadd.s32 s3, s9;
	s6 =	sadd.s32 @!p0 $0x88, s6;
	s7 =	simm.s32 @p2 $0x1082  }
0x22: {  	[simem:s7], [sflag:s8] =	dma.local @!p0 [hbm:s6], $0xF7A  }
0x23: {  	s9 =	sor.u32 $0xD0000000, s2;
	s6 =	simm.s32 $0x108;
	_ =	swait.ge @!p0 [sflag:s8], $0x0  }
0x24: {  	s3 =	sadd.s32 $0x88, s3;
	s6 =	simm.s32 @!p1 $0x1082;
	[sflag:s4] =	ssyncset.s32 $0xFFFFF086  }
0x25: {  	[simem:s6], [sflag:s4] =	dma.local [hbm:s3], $0xF7A  }
0x26: {  	[smem:$0x3F9F] =	sst s1;
	(tag) =	ssettag s2;
	_ =	strace s9  }
0x27: {  	s1 =	sld [smem:$0x3FAF]  }
0x28: {  	s2 =	sld [smem:$0x3FB0]  }
0x29: {  	s4 =	sld [smem:$0x3FB2]  }
0x2a: {  	p0 =	seq.s32 s5, $0x0;
	s5 =	sld [smem:$0x3FB3]  }
0x2b: {  	s6 =	sld [smem:$0x3FB4]  }
0x2c: {  	s7 =	sld [smem:$0x3FB5]  }
0x2d: {  	s3 =	simm.s32 $0x108;
	s8 =	sld [smem:$0x3FB6]  }
0x2e: {  	s3 =	simm.s32 @!p0 $0x1082;
	s9 =	sld [smem:$0x3FB7]  }
0x2f: {  	lr =	sadd.s32 s0, s3;
	s0 =	sld [smem:$0x3FAE]  }
0x30: {  	s3 =	sld [smem:$0x3FB1]  }
0x31: {  	[smem:$0x3FBA] =	sst s10  }
0x32: {  	s10 =	sld [smem:$0x3FB8];
	_ =	sdelay $0x3  }
0x33: {  	p0 =	seq.s32 s10, $0x1;
	s10 =	sld [smem:$0x3FBA];
	_ =	sdelay $0x3  }
0x34: {  	[smem:$0x3FBA] =	sst s10  }
0x35: {  	s10 =	sld [smem:$0x3FB9];
	_ =	sdelay $0x3  }
0x36: {  	p1 =	seq.s32 s10, $0x1;
	s10 =	sld [smem:$0x3FBA];
	_ =	sdelay $0x3  }
0x37: {  	[smem:$0x3FBA] =	sst s10  }
0x38: {  	s10 =	sld [smem:$0x3FBB]  }
0x39: {  	_ = 	snop;
	(pc) =	sbr.ind lr, $3  }
0x3a: {  	_ = 	snop  }
0x3b: {  	_ = 	snop  }
0x3c: {  	p2 =	seq.s32 s10, $0x1;
	s10 =	sld [smem:$0x3FBA]  }
0x3d: {  	_ =	shalt  }
0x3e: {  	_ =	shalt  }
0x3f: {  	_ =	shalt  }
0x40: {  	_ =	shalt  }
0x41: {  	_ =	shalt  }
0x42: {  	_ =	shalt  }
0x43: {  	_ =	shalt  }
0x44: {  	_ =	shalt  }
0x45: {  	_ =	shalt  }
0x46: {  	_ =	shalt  }
0x47: {  	_ =	shalt  }
0x48: {  	_ =	shalt  }
0x49: {  	_ =	shalt  }
0x4a: {  	_ =	shalt  }
0x4b: {  	_ =	shalt  }
0x4c: {  	_ =	shalt  }
0x4d: {  	_ =	shalt  }
0x4e: {  	_ =	shalt  }
0x4f: {  	_ =	shalt  }
0x50: {  	_ =	shalt  }
0x51: {  	_ =	shalt  }
0x52: {  	_ =	shalt  }
0x53: {  	_ =	shalt  }
0x54: {  	_ =	shalt  }
0x55: {  	_ =	shalt  }
0x56: {  	_ =	shalt  }
0x57: {  	_ =	shalt  }
0x58: {  	_ =	shalt  }
0x59: {  	_ =	shalt  }
0x5a: {  	_ =	shalt  }
0x5b: {  	_ =	shalt  }
0x5c: {  	_ =	shalt  }
0x5d: {  	_ =	shalt  }
0x5e: {  	_ =	shalt  }
0x5f: {  	_ =	shalt  }
0x60: {  	_ =	shalt  }
0x61: {  	_ =	shalt  }
0x62: {  	_ =	shalt  }
0x63: {  	_ =	shalt  }
0x64: {  	_ =	shalt  }
0x65: {  	_ =	shalt  }
0x66: {  	_ =	shalt  }
0x67: {  	_ =	shalt  }
0x68: {  	_ =	shalt  }
0x69: {  	_ =	shalt  }
0x6a: {  	_ =	shalt  }
0x6b: {  	_ =	shalt  }
0x6c: {  	_ =	shalt  }
0x6d: {  	_ =	shalt  }
0x6e: {  	_ =	shalt  }
0x6f: {  	_ =	shalt  }
0x70: {  	_ =	shalt  }
0x71: {  	_ =	shalt  }
0x72: {  	_ =	shalt  }
0x73: {  	_ =	shalt  }
0x74: {  	_ =	shalt  }
0x75: {  	_ =	shalt  }
0x76: {  	_ =	shalt  }
0x77: {  	_ =	shalt  }
0x78: {  	_ =	shalt  }
0x79: {  	_ =	shalt  }
0x7a: {  	_ =	shalt  }
0x7b: {  	_ =	shalt  }
0x7c: {  	_ =	shalt  }
0x7d: {  	_ =	shalt  }
0x7e: {  	_ =	shalt  }
0x7f: {  	_ =	shalt  }
0x80: {  	_ =	shalt  }
0x81: {  	_ =	shalt  }
0x82: {  	_ =	shalt  }
0x83: {  	_ =	shalt  }
0x84: {  	_ =	shalt  }
0x85: {  	_ =	shalt  }
0x86: {  	_ =	shalt  }
0x87: {  	_ =	shalt  }
.Lfunc_end0:
.L_simem_size_0:
called_computation_lowered:
.L_overlay_start_0:
0x88: {  	s2 =	sld [smem:$0x3FD9]  }
0x89: {  	s3 =	sld [smem:$0x3FFE];
	_ =	sdelay $0x1  }
0x8a: {  	s1 =	srdreg.scid  }
0x8b: {  	s0 =	sand.u32 $0x1, s1  }
0x8c: {  	s16 =	sshll.u32 s0, $0xA;
	s2 =	sadd.s32 s3, s2  }
0x8d: {  	s2 =	sadd.s32 s2, s16  }
0x8e: {  	[smem:$0x3FC6] =	sst s2  }
0x8f: {  	_ = 	snop  }
0x90: {  	(tm) =	ssettm $0x1  }
0x91: {  	s17 =	sld [smem:$0x3FFB];
	_ =	sdelay $0x3  }
0x92: {  	_ =	strace s17  }
0x93: {  	s2 =	sld [smem:$0x3FFC];
	_ =	sdelay $0x3  }
0x94: {  	_ =	strace s2  }
0x95: {  	s2 =	sld [smem:$0x3FFD];
	_ =	sdelay $0x3  }
0x96: {  	_ =	strace s2  }
0x97: {  	_ =	strace $0x8FFFFFFF  }
0x98: {  	s18 =	sld [smem:$0x3FDB];
	_ =	sdelay $0x1  }
0x99: {  	s19 =	simm.s32 $_scs_section_size  }
0x9a: {  	s4 =	simm.s32 $_size__tile_overlayer_lowered;
	s5 =	simm.s32 $_tile_overlayer_lowered  }
0x9b: {  	s22 =	simm.s32 $0x1BFF;
	s21 =	sshll.u32 s5, $0x1;
	s2 =	sadd.s32 s19, s18  }
0x9c: {  	s6 =	simm.s32 $0x0;
	s20 =	sshll.u32 s4, $0x1;
	s4 =	sadd.s32 s21, s2  }
0x9d: {  	[timem:s6], [sflag:s22] =	dma.local [hbm:s4], s20  }
0x9e: {  	_ =	swait.ge [sflag:s22], s20  }
0x9f: {  	s3 =	ssub.s32 $0x0, s20;
	[sflag:s22] =	ssyncset.done $0x0  }
0xa0: {  	[sflag:s22] =	ssyncadd.s32 s3;
	_ =	sdelay $0x1  }
0xa1: {  	s23 =	simm.s32 $0x1B8B  }
0xa2: {  	_ =	swait.ge [sflag:s23], $0x1  }
0xa3: {  	[sflag:s23] =	ssyncset.done $0x0  }
0xa4: {  	s25 =	simm.s32 $0x1B8E;
	s24 =	sld [smem:$0x3FFE];
	[sflag:s23] =	ssyncadd.s32 $0xFFFFFFFF  }
0xa5: {  	s26 =	simm.s32 $execute0_lowered;
	[smem:$0x3FD2] =	sst s25  }
0xa6: {  	s4 =	sshll.u32 s26, $0x1;
	_ =	strace $0x80000046;
	[dreg:$0x1] =	wrdreg $0xFFFFFFFF  }
0xa7: {  	s28 =	simm.s32 $_size_execute0_lowered;
	s2 =	sadd.s32 s2, s4;
	[dreg:$0x0] =	wrdreg $0x0  }
0xa8: {  	s4 =	sshll.u32 s28, $0x1;
	[dreg:$0x2] =	wrdreg s2  }
0xa9: {  	[dreg:$0x3] =	wrdreg s4  }
0xaa: {  	[dreg:$0x4] =	wrdreg $0xC0  }
0xab: {  	_ =	task [dreg:s6], $0x5FFFF  }
0xac: {  	[dreg:$0x1] =	wrdreg $0xFFFFFFFF  }
0xad: {  	[dreg:$0x0] =	wrdreg $0x60  }
0xae: {  	[dreg:$0x2] =	wrdreg s24  }
0xaf: {  	[dreg:$0x3] =	wrdreg $0x3F000  }
0xb0: {  	[dreg:$0x4] =	wrdreg $0x9  }
0xb1: {  	_ =	task.clear_ibuf [dreg:s6], $0x5FFFF;
	_ =	strace $0x90000046  }
0xb2: {  	s29 =	simm.s32 $0x9;
	_ =	strace $0x80000048  }
0xb3: {  	_ =	swait.ge [sflag:s29], $0x1  }
0xb4: {  	[sflag:s29] =	ssyncadd.s32 $0xFFFFFFFF  }
0xb5: {  	_ =	strace $0x90000048  }
0xb6: {  	_ =	sfence  }
0xb7: {  	s30 =	sld [smem:$0x0];
	_ =	sdelay $0x2  }
0xb8: {  	s31 =	sshll.u32 s1, $0xD;
	s1 =	sshrl.u32 s1, $0x2  }
0xb9: {  	s3 =	sand.u32 $0x4000, s31;
	s1 =	sadd.s32 s1, s30  }
0xba: {  	s0 =	sor.u32 s3, s0;
	s1 =	sshll.u32 s1, $0x11  }
0xbb: {  	s0 =	sor.u32 s1, s0  }
0xbc: {  	s0 =	sadd.s32 $0x8F2B, s0  }
0xbd: {  	[sflag:s0] =	ssyncadd.remote.s32 $0x1  }
0xbe: {  	_ =	sfence.sel $0xFFFF  }
0xbf: {  	[dreg:$0x0] =	wrdreg $0xFFFFFFFF;
	(pc) =	sbr.abs _section_cstart, $3  }
0xc0: {  	[dreg:$0x1] =	wrdreg $0xFFFFFFFF  }
0xc1: {  	_ =	task.clear_ibuf [dreg:s6], $0x2FFFF;
	_ =	strace $0x9FFFFFFF  }
0xc2: {  	(tm) =	ssettm $0x7FFFFFFF  }
0xc3: {  	_ =	shalt  }
tec
execute0_lowered:
.L_overlay_start_1:
0x0: {  	(tag) =	ssettag $0x1  }
0x1: {  	s0 =	srdreg.scid  }
0x2: {  	s4 =	rddreg [dreg:$0x0];
	s11 =	stileid.u32  }
0x3: {  	s1 =	rddreg [dreg:$0x1];
	s2 =	simm.s32 $0x0;
	s8 =	simm.s32 $0x3E80  }
0x4: {  	s9 =	simm.s32 $0x80;
	s3 =	sand.u32 $0x1, s0;
	s0 =	rddreg [dreg:$0x2]  }
0x5: {  	s10 =	simm.s32 $0x3D80;
	s13 =	simm.s32 $0x0;
	[smem:$0x7FF] =	sst s2  }
0x6: {  	s31 =	sshll.u32 s11, $0x6;
	p0 =	sne.s32 s11, $0x0;
	s5 =	sshll.u32 s3, $0x4  }
0x7: {  	s3 =	ssub.s32 $0x2, s3;
	_ =	strace $0x80000047;
	s6 =	sor.u32 s11, s5  }
0x8: {  	s12 =	sshrl.u32 @!p0 s1, $0x3;
	s7 =	sshrl.u32 s3, $0x1;
	s6 =	smul.u32 $0x7B0, s6  }
0x9: {  	s5 =	sadd.s32 s5, s4;
	s11 =	simm.s32 $0x3E00;
	s7 =	ssub.s32 s3, s7  }
0xa: {  	s5 =	sadd.s32 $0xFA00, s5;
	s6 =	sadd.s32 s6, s4;
	s4 =	sadd.s32 s31, s1  }
0xb: {  	v0 =	vimm.s32 $0x0;
	v1 =	vimm.s32 $0x1;
	s3 =	sadd.s32 $0x400, s6;
	s6 =	smax.u32 s7, $0x1;
	s7 =	simm.s32 $0x1  }
.LBB2_1:
0xc: {  	[tilespmem:s2], [sflag:$0x1] =	stream.linear.gather [hbm4b:s3+s2], $0x3D80, $0x38;
	[tilespmem:$0x3F40] =	vst v63  }
0xd: {  	_ =	swait.ge [sflag:s7], $0x3D80  }
0xe: {  	[sflag:s7] =	ssyncset.done $0x0  }
0xf: {  	[sflag:s7] =	ssyncadd.s32 $0xFFFFC280  }
0x10: {  	[tilespmem:$0x3E80] =	vst v0  }
0x11: {  	[tilespmem:$0x3E90] =	vst v0  }
0x12: {  	[tilespmem:$0x3EA0] =	vst v0  }
0x13: {  	[tilespmem:$0x3EB0] =	vst v0  }
0x14: {  	[spmem:s4] =	stream.linear.scatter [tilespmem:s8], [sflag:$0x1], $0x40, $0x38;
	[tilespmem:$0x3F40] =	vst v63  }
0x15: {  	_ =	swait.ge [sflag:s7], $0x40  }
0x16: {  	[sflag:s7] =	ssyncset.done $0x0  }
0x17: {  	[sflag:s7] =	ssyncadd.s32 $0xFFFFFFC0  }
0x18: {  	[tilespmem:$0x3E00] =	vst v1  }
0x19: {  	[tilespmem:$0x3E10] =	vst v1  }
0x1a: {  	[tilespmem:$0x3E20] =	vst v1  }
0x1b: {  	[tilespmem:$0x3E30] =	vst v1  }
0x1c: {  	[tilespmem:$0x3E40] =	vst v1  }
0x1d: {  	[tilespmem:$0x3E50] =	vst v1  }
0x1e: {  	[tilespmem:$0x3E60] =	vst v1  }
0x1f: {  	[tilespmem:$0x3E70] =	vst v1  }
0x20: {  	s14 =	simm.s32 $0x70;
	[bflag:$0x0] =	sbarrier.arrive $0xFFFF  }
0x21: {  	v2 =	vld [tilespmem:s14+$0xFFFFFF90];
	_ =	sdelay $0x4  }
0x22: {  	v2 =	vshra.s32 v2, $0x14  }
0x23: {  	[tilespmem:$0x3D80] =	vst v2  }
0x24: {  	v2 =	vld [tilespmem:s14+$0xFFFFFFA0];
	_ =	sdelay $0x4  }
0x25: {  	v2 =	vshra.s32 v2, $0x14  }
0x26: {  	[tilespmem:$0x3D90] =	vst v2  }
0x27: {  	v2 =	vld [tilespmem:s14+$0xFFFFFFB0];
	_ =	sdelay $0x4  }
0x28: {  	v2 =	vshra.s32 v2, $0x14  }
0x29: {  	[tilespmem:$0x3DA0] =	vst v2  }
0x2a: {  	v2 =	vld [tilespmem:s14+$0xFFFFFFC0];
	_ =	sdelay $0x4  }
0x2b: {  	v2 =	vshra.s32 v2, $0x14  }
0x2c: {  	[tilespmem:$0x3DB0] =	vst v2  }
0x2d: {  	v2 =	vld [tilespmem:s14+$0xFFFFFFD0];
	_ =	sdelay $0x4  }
0x2e: {  	v2 =	vshra.s32 v2, $0x14  }
0x2f: {  	[tilespmem:$0x3DC0] =	vst v2  }
0x30: {  	v2 =	vld [tilespmem:s14+$0xFFFFFFE0];
	_ =	sdelay $0x4  }
0x31: {  	v2 =	vshra.s32 v2, $0x14  }
0x32: {  	[tilespmem:$0x3DD0] =	vst v2  }
0x33: {  	v2 =	vld [tilespmem:s14+$0xFFFFFFF0];
	_ =	sdelay $0x4  }
0x34: {  	v2 =	vshra.s32 v2, $0x14  }
0x35: {  	[tilespmem:$0x3DE0] =	vst v2  }
0x36: {  	v2 =	vld [tilespmem:s14+$0x0];
	_ =	sdelay $0x4  }
0x37: {  	v2 =	vshra.s32 v2, $0x14  }
0x38: {  	[tilespmem:$0x3DF0] =	vst v2  }
0x39: {  	[spmem:s1] =	stream.indirect.scatter.add.s32 [tilespmem:s11], [sflag:$0x1], $0x1, s10, s9, $0xb8;
	[tilespmem:$0x3F40] =	vst v63  }
0x3a: {  	_ =	swait.ge [sflag:s7], $0x80  }
0x3b: {  	s17 =	simm.s32 $0x5C0;
	s14 =	simm.s32 $0x3C0;
	[sflag:s7] =	ssyncset.done $0x0  }
.LBB2_2:
0x3c: {  	s16 =	sshra.s32 s14, $0x2  }
0x3d: {  	[sflag:s7] =	ssyncadd.s32 $0xFFFFFF80;
	s14 =	smov.u32 s17;
	s15 =	sadd.s32 $0x200, s17  }
0x3e: {  	p1 =	sne.s32 s17, $0xF5C0;
	v2 =	vld [tilespmem:s16+$0xFFFFFF90];
	_ =	sdelay $0x4  }
0x3f: {  	v2 =	vshra.s32 v2, $0x14  }
0x40: {  	[tilespmem:$0x3D80] =	vst v2  }
0x41: {  	v2 =	vld [tilespmem:s16+$0xFFFFFFA0];
	_ =	sdelay $0x4  }
0x42: {  	v2 =	vshra.s32 v2, $0x14  }
0x43: {  	[tilespmem:$0x3D90] =	vst v2  }
0x44: {  	v2 =	vld [tilespmem:s16+$0xFFFFFFB0];
	_ =	sdelay $0x4  }
0x45: {  	v2 =	vshra.s32 v2, $0x14  }
0x46: {  	[tilespmem:$0x3DA0] =	vst v2  }
0x47: {  	v2 =	vld [tilespmem:s16+$0xFFFFFFC0];
	_ =	sdelay $0x4  }
0x48: {  	v2 =	vshra.s32 v2, $0x14  }
0x49: {  	[tilespmem:$0x3DB0] =	vst v2  }
0x4a: {  	v2 =	vld [tilespmem:s16+$0xFFFFFFD0];
	_ =	sdelay $0x4  }
0x4b: {  	v2 =	vshra.s32 v2, $0x14  }
0x4c: {  	[tilespmem:$0x3DC0] =	vst v2  }
0x4d: {  	v2 =	vld [tilespmem:s16+$0xFFFFFFE0];
	_ =	sdelay $0x4  }
0x4e: {  	v2 =	vshra.s32 v2, $0x14  }
0x4f: {  	[tilespmem:$0x3DD0] =	vst v2  }
0x50: {  	v2 =	vld [tilespmem:s16+$0xFFFFFFF0];
	_ =	sdelay $0x4  }
0x51: {  	v2 =	vshra.s32 v2, $0x14  }
0x52: {  	[tilespmem:$0x3DE0] =	vst v2  }
0x53: {  	v2 =	vld [tilespmem:s16+$0x0];
	_ =	sdelay $0x4  }
.Ltmp0:
0x54: {  	v2 =	vshra.s32 v2, $0x14;
	(pc) =	sbr.rel @p1 .LBB2_2-.Ltmp0, $4  }
0x55: {  	[tilespmem:$0x3DF0] =	vst v2  }
0x56: {  	[spmem:s1] =	stream.indirect.scatter.add.s32 [tilespmem:s11], [sflag:$0x1], $0x1, s10, s9, $0xb8;
	[tilespmem:$0x3F40] =	vst v63  }
0x57: {  	_ =	swait.ge [sflag:s7], $0x80  }
0x58: {  	s17 =	smov.u32 s15;
	[sflag:s7] =	ssyncset.done $0x0  }
0x59: {  	s14 =	sshra.s32 s14, $0x2;
	[sflag:s7] =	ssyncadd.s32 $0xFFFFFF80  }
0x5a: {  	v2 =	vld [tilespmem:s14+$0xFFFFFF90];
	_ =	sdelay $0x4  }
0x5b: {  	v2 =	vshra.s32 v2, $0x14  }
0x5c: {  	[tilespmem:$0x3D80] =	vst v2  }
0x5d: {  	v2 =	vld [tilespmem:s14+$0xFFFFFFA0];
	_ =	sdelay $0x4  }
0x5e: {  	v2 =	vshra.s32 v2, $0x14  }
0x5f: {  	[tilespmem:$0x3D90] =	vst v2  }
0x60: {  	v2 =	vld [tilespmem:s14+$0xFFFFFFB0];
	_ =	sdelay $0x4  }
0x61: {  	v2 =	vshra.s32 v2, $0x14  }
0x62: {  	[tilespmem:$0x3DA0] =	vst v2  }
0x63: {  	v2 =	vld [tilespmem:s14+$0xFFFFFFC0];
	_ =	sdelay $0x4  }
0x64: {  	v2 =	vshra.s32 v2, $0x14  }
0x65: {  	[tilespmem:$0x3DB0] =	vst v2  }
0x66: {  	v2 =	vld [tilespmem:s14+$0xFFFFFFD0];
	_ =	sdelay $0x4  }
0x67: {  	v2 =	vshra.s32 v2, $0x14  }
0x68: {  	[tilespmem:$0x3DC0] =	vst v2  }
0x69: {  	v2 =	vld [tilespmem:s14+$0xFFFFFFE0];
	_ =	sdelay $0x4  }
0x6a: {  	v2 =	vshra.s32 v2, $0x14  }
0x6b: {  	[tilespmem:$0x3DD0] =	vst v2  }
0x6c: {  	v2 =	vld [tilespmem:s14+$0xFFFFFFF0];
	_ =	sdelay $0x4  }
0x6d: {  	v2 =	vshra.s32 v2, $0x14  }
0x6e: {  	[tilespmem:$0x3DE0] =	vst v2  }
0x6f: {  	v2 =	vld [tilespmem:s14+$0x0];
	_ =	sdelay $0x4  }
0x70: {  	v2 =	vshra.s32 v2, $0x14  }
0x71: {  	[tilespmem:$0x3DF0] =	vst v2  }
0x72: {  	[spmem:s1] =	stream.indirect.scatter.add.s32 [tilespmem:s11], [sflag:$0x1], $0x1, s10, s9, $0xb8;
	[tilespmem:$0x3F40] =	vst v63  }
0x73: {  	s15 =	simm.s32 @!p0 $0x20;
	_ =	swait.ge [sflag:s7], $0x80  }
0x74: {  	s16 =	simm.s32 @!p0 $0x10;
	s13 =	sadd.s32 $0x1, s13;
	[sflag:s7] =	ssyncset.done $0x0  }
0x75: {  	s17 =	simm.s32 @!p0 $0x1C01;
	p1 =	sne.s32 s13, s6;
	[sflag:s7] =	ssyncadd.s32 $0xFFFFFF80  }
.Ltmp1:
0x76: {  	s14 =	simm.s32 @!p0 $0x1;
	[bflag:$0x0] =	sbarrier.arrive $0xFFFF;
	(pc) =	sbr.rel @p1 .LBB2_1-.Ltmp1, $4  }
0x77: {  	[hbm:s5@s15], [sflag:s17] =	dma.strided @!p0 [spmem:s12@s16], $0x80, s14, $0x10   }
0x78: {  	_ =	swait.ge @!p0 [sflag:s14], $0x80  }
0x79: {  	[sflag:s14] =	ssyncset.done @!p0 $0x0  }
0x7a: {  	[sflag:s14] =	ssyncadd.s32 @!p0 $0xFFFFFF80  }
0x7b: {  	_ =	sfence.sel $0x180000  }
0x7c: {  	[bflag:$0x0] =	sbarrier.arrive $0xFFFF  }
0x7d: {  	_ =	strace $0x90000047  }
0x7e: {  	s0 =	sadd.s32 @!p0 $0x100000, s0;
	[bflag:$0x2] =	sbarrier.arrive $0xFFFF  }
0x7f: {  	[sflag:s0] =	ssyncadd.tile.s32 @!p0 $0x1;
	_ =	shalt  }
.Lfunc_end2:
_tile_overlayer_lowered:
.L_overlay_start_2:
0x80: {  	(tag) =	ssettag $0x2  }
0x81: {  	s0 =	rddreg [dreg:$0x0];
	s2 =	stileid.u32  }
0x82: {  	s1 =	rddreg [dreg:$0x1];
	p0 =	sne.s32 s2, $0x0  }
0x83: {  	s3 =	rddreg [dreg:$0x2];
	[bflag:$0x3] =	sbarrier.arrive $0xFFFF;
	s2 =	simm.s32 @!p0 $0x1C01  }
0x84: {  	[timem:s3], [sflag:s2] =	dma.local @!p0 [hbm:s0], s1  }
0x85: {  	s0 =	simm.s32 @!p0 $0x1  }
0x86: {  	_ =	swait.ge @!p0 [sflag:s0], s1  }
0x87: {  	s1 =	ssub.s32 @!p0 $0x0, s1;
	[sflag:s0] =	ssyncset.done @!p0 $0x0  }
0x88: {  	[sflag:s0] =	ssyncadd.s32 @!p0 s1  }
0x89: {  	[bflag:$0x3] =	sbarrier.arrive $0xFFFF  }
0x8a: {  	_ =	shalt  }

</sc_bundles>
